<compile_context>
chip_gen: v7x
topology: tpu7x:2x2x1
jax: 0.10.2.dev20260603
libtpu: 0.0.44.dev20260713+nightly
codegen_flags: <defaults>
</compile_context>

<pallas_src>
import functools

import jax
import jax.numpy as jnp
from jax import lax
from jax.experimental import pallas as pl
from jax.experimental.pallas import tpu as pltpu
from jax.experimental.pallas import tpu_sc as plsc

VOCAB = 100000
D_MODEL = 64
BATCH = 1024

_VBLK = 2048


def _sc_gather_pairs(emb2, idx_half):
    info = plsc.get_sparse_core_info()
    nw = info.num_cores * info.num_subcores
    b_per_w = BATCH // nw
    d2 = 2 * D_MODEL
    mesh = plsc.VectorSubcoreMesh(core_axis_name="c", subcore_axis_name="s")

    @functools.partial(
        pl.kernel,
        mesh=mesh,
        out_type=jax.ShapeDtypeStruct((BATCH, d2), jnp.float32),
        scratch_types=[
            pltpu.VMEM((b_per_w,), jnp.int32),
            pltpu.VMEM((b_per_w, d2), jnp.float32),
            pltpu.SemaphoreType.DMA,
        ],
    )
    def gather_kernel(table_hbm, idx_hbm, out_hbm, idx_v, rows_v, sem):
        wid = lax.axis_index("s") * info.num_cores + lax.axis_index("c")
        base = wid * b_per_w
        pltpu.sync_copy(idx_hbm.at[pl.ds(base, b_per_w)], idx_v)
        pltpu.async_copy(table_hbm.at[idx_v], rows_v, sem).wait()
        pltpu.sync_copy(rows_v, out_hbm.at[pl.ds(base, b_per_w)])

    return gather_kernel(emb2, idx_half)


_NSTEPS = (VOCAB + _VBLK - 1) // _VBLK
_TAIL = VOCAB - (_NSTEPS - 1) * _VBLK
_NBUF = 3


def _tc_project_t(x2, parity, proj_w):

    def mm(x2_ref, par_ref, wt_ref, o_hbm, acc, sems):
        i = pl.program_id(0)

        def blk():
            x = jnp.where(
                par_ref[...] == 1, x2_ref[:, D_MODEL:], x2_ref[:, :D_MODEL]
            )
            return lax.dot_general(
                wt_ref[...],
                x,
                (((0,), (1,)), ((), ())),
                preferred_element_type=jnp.float32,
            )

        for b in range(_NBUF):
            @pl.when(jnp.logical_and(i % _NBUF == b, i >= _NBUF))
            def _():
                pltpu.make_async_copy(
                    acc.at[b],
                    o_hbm.at[pl.ds((i - _NBUF) * _VBLK, _VBLK)],
                    sems.at[b],
                ).wait()

            @pl.when(i % _NBUF == b)
            def _():
                acc[b, :, :] = blk()

            @pl.when(jnp.logical_and(i % _NBUF == b, i < _NSTEPS - 1))
            def _():
                pltpu.make_async_copy(
                    acc.at[b],
                    o_hbm.at[pl.ds(i * _VBLK, _VBLK)],
                    sems.at[b],
                ).start()

        @pl.when(i == _NSTEPS - 1)
        def _():
            tb = (_NSTEPS - 1) % _NBUF
            tail = pltpu.make_async_copy(
                acc.at[tb, :_TAIL, :],
                o_hbm.at[pl.ds((_NSTEPS - 1) * _VBLK, _TAIL)],
                sems.at[tb],
            )
            tail.start()
            for s in range(_NSTEPS - _NBUF, _NSTEPS - 1):
                b = s % _NBUF
                pltpu.make_async_copy(
                    acc.at[b],
                    o_hbm.at[pl.ds(s * _VBLK, _VBLK)],
                    sems.at[b],
                ).wait()
            tail.wait()

    return pl.pallas_call(
        mm,
        grid=(_NSTEPS,),
        in_specs=[
            pl.BlockSpec((BATCH, 2 * D_MODEL), lambda i: (0, 0)),
            pl.BlockSpec((BATCH, 1), lambda i: (0, 0)),
            pl.BlockSpec((D_MODEL, _VBLK), lambda i: (0, i)),
        ],
        out_specs=pl.BlockSpec(memory_space=pl.ANY),
        out_shape=jax.ShapeDtypeStruct((VOCAB, BATCH), jnp.float32),
        scratch_shapes=[
            pltpu.VMEM((_NBUF, _VBLK, BATCH), jnp.float32),
            pltpu.SemaphoreType.DMA((_NBUF,)),
        ],
    )(x2, parity, proj_w.T)


def kernel(input_ids, emb_table, proj_w):
    ids = input_ids.astype(jnp.int32)
    x2 = _sc_gather_pairs(emb_table.reshape(VOCAB // 2, 2 * D_MODEL), ids // 2)
    parity = (ids % 2).reshape(BATCH, 1)
    return _tc_project_t(x2, parity, proj_w).T

# --- scband reference (transcript-rebuilt; emitter-appended) ---
"""Pipeline reference for scband-tiny-lm-46523085750439 (READ-ONLY COPY).

The authoritative reference and input builder live on the scoring server;
editing this copy changes nothing except your own understanding.
"""

import jax, jax.numpy as jnp
import numpy as np

VOCAB = 100000
D_MODEL = 64
BATCH = 1024


def setup_inputs(seed: int = 0) -> dict:
    key = jax.random.key(seed)
    k_ids, k_emb, k_proj = jax.random.split(key, 3)
    input_ids = jax.random.randint(k_ids, (BATCH,), 0, VOCAB, dtype=jnp.int64 if jax.config.jax_enable_x64 else jnp.int32)
    emb_table = jax.random.normal(k_emb, (VOCAB, D_MODEL), dtype=jnp.float32) * 0.02
    proj_w = jax.random.normal(k_proj, (VOCAB, D_MODEL), dtype=jnp.float32) * 0.02  # nn.Linear weight [out, in]
    return {"input_ids": input_ids, "emb_table": emb_table, "proj_w": proj_w}


def reference(input_ids, emb_table, proj_w):
    # x = self.embedding(input_ids)  -> gather rows from embedding table
    x = jnp.take(emb_table, input_ids, axis=0)  # [BATCH, D_MODEL]
    # return self.proj(x)  -> Linear without bias: x @ W.T
    logits = x @ proj_w.T  # [BATCH, VOCAB]
    return logits

if __name__ == "__main__":
    import jax
    _d = setup_inputs()
    print(jax.jit(kernel)(*tuple(_d.values())))

</pallas_src>

<mosaic_0001>
#map = affine_map<(d0, d1) -> (0, 0)>
#map1 = affine_map<(d0, d1) -> (0)>
module attributes {stable_mosaic.version = 14 : i64} {
  func.func @gather_kernel(%arg0: i32, %arg1: i32, %arg2: memref<50000x128xf32, #tpu.memory_space<hbm>>, %arg3: memref<1024xi32, #tpu.memory_space<hbm>>, %arg4: memref<1024x128xf32, #tpu.memory_space<hbm>>, %arg5: memref<32xi32, #tpu.memory_space<vmem>>, %arg6: memref<32x128xf32, #tpu.memory_space<vmem>>, %arg7: memref<!tpu.dma_semaphore, #tpu.memory_space<semaphore_mem>>) attributes {dimension_semantics = [#tpu.dimension_semantics<core_parallel>, #tpu.dimension_semantics<subcore_parallel>], iteration_bounds = array<i64: 2, 16>, scalar_prefetch = 0 : i64, scratch_operands = 3 : i64, tpu.core_type = #tpu.core_type<sc_vector_subcore>, window_params = [{transform_indices = #map}, {transform_indices = #map1}, {transform_indices = #map}]} {
    %mul3A = arith.constant 2 : i32
    %mul3A_0 = arith.muli %arg1, %mul3A : i32
    %add3A = arith.addi %mul3A_0, %arg0 : i32
    %mul3A_1 = arith.constant 32 : i32
    %mul3A_2 = arith.muli %add3A, %mul3A_1 : i32
    "tpu.region"() ({
      %run_scoped3A = tpu.sem_alloc : memref<!tpu.dma_semaphore, #tpu.memory_space<semaphore_mem>>
      %dma_start3A_7 = tpu.memref_slice %arg3[%mul3A_2] : memref<1024xi32, #tpu.memory_space<hbm>> -> memref<32xi32, #tpu.memory_space<hbm>>
      %dma_start3A_8 = tpu.memref_slice %arg3[%mul3A_2] : memref<1024xi32, #tpu.memory_space<hbm>> -> memref<32xi32, #tpu.memory_space<hbm>>
      tpu.enqueue_dma source(%dma_start3A_8 : memref<32xi32, #tpu.memory_space<hbm>>) target(%arg5 : memref<32xi32, #tpu.memory_space<vmem>>) target_semaphore(%run_scoped3A : memref<!tpu.dma_semaphore, #tpu.memory_space<semaphore_mem>>)
      %dma_wait3A_9 = tpu.memref_slice %arg3[%mul3A_2] : memref<1024xi32, #tpu.memory_space<hbm>> -> memref<32xi32, #tpu.memory_space<hbm>>
      %dma_wait3A_10 = tpu.memref_slice %arg3[%mul3A_2] : memref<1024xi32, #tpu.memory_space<hbm>> -> memref<32xi32, #tpu.memory_space<hbm>>
      tpu.wait_dma2 semaphore(%run_scoped3A : memref<!tpu.dma_semaphore, #tpu.memory_space<semaphore_mem>>) src(%dma_wait3A_10 : memref<32xi32, #tpu.memory_space<hbm>>) dst(%arg5 : memref<32xi32, #tpu.memory_space<vmem>>)
      tpu.yield
    }) : () -> ()
    %dma_start3A = arith.constant 0 : i32
    %dma_start3A_3 = arith.constant 0 : i32
    %dma_start3A_4 = tpu.memref_slice %arg2[%dma_start3A, %dma_start3A_3] : memref<50000x128xf32, #tpu.memory_space<hbm>> -> memref<50000x128xf32, #tpu.memory_space<hbm>>
    tpu.enqueue_indirect_dma source(%dma_start3A_4 : memref<50000x128xf32, #tpu.memory_space<hbm>>) target(%arg6 : memref<32x128xf32, #tpu.memory_space<vmem>>) offsets(%arg5 : memref<32xi32, #tpu.memory_space<vmem>>) semaphore(%arg7 : memref<!tpu.dma_semaphore, #tpu.memory_space<semaphore_mem>>)
    %dma_wait3A = arith.constant 0 : i32
    %dma_wait3A_5 = arith.constant 0 : i32
    %dma_wait3A_6 = tpu.memref_slice %arg2[%dma_wait3A, %dma_wait3A_5] : memref<50000x128xf32, #tpu.memory_space<hbm>> -> memref<50000x128xf32, #tpu.memory_space<hbm>>
    tpu.wait_indirect_dma semaphore(%arg7 : memref<!tpu.dma_semaphore, #tpu.memory_space<semaphore_mem>>) src(%dma_wait3A_6 : memref<50000x128xf32, #tpu.memory_space<hbm>>) dst(%arg6 : memref<32x128xf32, #tpu.memory_space<vmem>>)
    "tpu.region"() ({
      %run_scoped3A = tpu.sem_alloc : memref<!tpu.dma_semaphore, #tpu.memory_space<semaphore_mem>>
      %dma_start3A_7 = arith.constant 0 : i32
      %dma_start3A_8 = tpu.memref_slice %arg4[%mul3A_2, %dma_start3A_7] : memref<1024x128xf32, #tpu.memory_space<hbm>> -> memref<32x128xf32, #tpu.memory_space<hbm>>
      %dma_start3A_9 = arith.constant 0 : i32
      %dma_start3A_10 = tpu.memref_slice %arg4[%mul3A_2, %dma_start3A_9] : memref<1024x128xf32, #tpu.memory_space<hbm>> -> memref<32x128xf32, #tpu.memory_space<hbm>>
      tpu.enqueue_dma source(%arg6 : memref<32x128xf32, #tpu.memory_space<vmem>>) target(%dma_start3A_10 : memref<32x128xf32, #tpu.memory_space<hbm>>) target_semaphore(%run_scoped3A : memref<!tpu.dma_semaphore, #tpu.memory_space<semaphore_mem>>)
      %dma_wait3A_11 = arith.constant 0 : i32
      %dma_wait3A_12 = tpu.memref_slice %arg4[%mul3A_2, %dma_wait3A_11] : memref<1024x128xf32, #tpu.memory_space<hbm>> -> memref<32x128xf32, #tpu.memory_space<hbm>>
      %dma_wait3A_13 = arith.constant 0 : i32
      %dma_wait3A_14 = tpu.memref_slice %arg4[%mul3A_2, %dma_wait3A_13] : memref<1024x128xf32, #tpu.memory_space<hbm>> -> memref<32x128xf32, #tpu.memory_space<hbm>>
      tpu.wait_dma2 semaphore(%run_scoped3A : memref<!tpu.dma_semaphore, #tpu.memory_space<semaphore_mem>>) src(%arg6 : memref<32x128xf32, #tpu.memory_space<vmem>>) dst(%dma_wait3A_14 : memref<32x128xf32, #tpu.memory_space<hbm>>)
      tpu.yield
    }) : () -> ()
    return
  }
}

module attributes {stable_mosaic.version = 14 : i64} {
  func.func @mm(%arg0: i32, %arg1: memref<1024x128xf32, #tpu.memory_space<vmem>>, %arg2: memref<1024x1xi32, #tpu.memory_space<vmem>>, %arg3: memref<64x2048xf32, #tpu.memory_space<vmem>>, %arg4: memref<100000x1024xf32, #tpu.memory_space<any>>, %arg5: memref<3x2048x1024xf32, #tpu.memory_space<vmem>>, %arg6: memref<3x!tpu.dma_semaphore, #tpu.memory_space<semaphore_mem>>) attributes {dimension_semantics = [#tpu.dimension_semantics<arbitrary>], iteration_bounds = array<i64: 49>, scalar_prefetch = 0 : i64, scratch_operands = 2 : i64, tpu.core_type = #tpu.core_type<tc>, window_params = [{pipeline_mode = #tpu.pipeline_mode<synchronous>, transform_indices = @transform_0, window_bounds = array<i64: 1024, 128>}, {pipeline_mode = #tpu.pipeline_mode<synchronous>, transform_indices = @transform_1, window_bounds = array<i64: 1024, 1>}, {transform_indices = @transform_2, window_bounds = array<i64: 64, 2048>}, {}]} {
    %jit3A = arith.constant 3 : i32
    %eq3A = arith.constant 0 : i32
    %eq3A_0 = arith.cmpi eq, %jit3A, %eq3A : i32
    %jit3A_1 = arith.constant 1 : i32
    %select_n3A = arith.select %eq3A_0, %jit3A_1, %jit3A : i32
    %rem3A = arith.remsi %arg0, %select_n3A : i32
    %ne3A = arith.constant 0 : i32
    %ne3A_2 = arith.cmpi ne, %rem3A, %ne3A : i32
    %lt3A = arith.constant 0 : i32
    %lt3A_3 = arith.cmpi slt, %rem3A, %lt3A : i32
    %lt3A_4 = arith.constant 0 : i32
    %lt3A_5 = arith.cmpi slt, %select_n3A, %lt3A_4 : i32
    %ne3A_6 = arith.xori %lt3A_3, %lt3A_5 : i1
    %and3A = arith.andi %ne3A_6, %ne3A_2 : i1
    %add3A = arith.addi %rem3A, %select_n3A : i32
    %select_n3A_7 = arith.select %and3A, %add3A, %rem3A : i32
    %eq3A_8 = arith.constant 0 : i32
    %eq3A_9 = arith.cmpi eq, %select_n3A_7, %eq3A_8 : i32
    %ge3A = arith.constant 3 : i32
    %ge3A_10 = arith.cmpi sge, %arg0, %ge3A : i32
    %and3A_11 = arith.andi %eq3A_9, %ge3A_10 : i1
    %convert_element_type3A = arith.extui %and3A_11 : i1 to i32
    %cond3A = arith.constant 0 : i32
    %cond3A_12 = arith.cmpi ne, %convert_element_type3A, %cond3A : i32
    scf.if %cond3A_12 {
      %sub3A = arith.constant 3 : i32
      %sub3A_201 = arith.subi %arg0, %sub3A : i32
      %mul3A = arith.constant 2048 : i32
      %mul3A_202 = arith.muli %sub3A_201, %mul3A : i32
      %dma_wait3A = arith.constant 0 : i32
      %dma_wait3A_203 = arith.constant 0 : i32
      %dma_wait3A_204 = tpu.memref_slice %arg6[%dma_wait3A_203] : memref<3x!tpu.dma_semaphore, #tpu.memory_space<semaphore_mem>> -> memref<1x!tpu.dma_semaphore, #tpu.memory_space<semaphore_mem>>
      %dma_wait3A_205 = tpu.memref_squeeze %dma_wait3A_204 : memref<1x!tpu.dma_semaphore, #tpu.memory_space<semaphore_mem>> -> memref<!tpu.dma_semaphore, #tpu.memory_space<semaphore_mem>>
      %dma_wait3A_206 = arith.constant 0 : i32
      %dma_wait3A_207 = tpu.memref_slice %arg4[%mul3A_202, %dma_wait3A_206] : memref<100000x1024xf32, #tpu.memory_space<any>> -> memref<2048x1024xf32, #tpu.memory_space<any>>
      %dma_wait3A_208 = arith.constant 0 : i32
      %dma_wait3A_209 = arith.constant 0 : i32
      %dma_wait3A_210 = tpu.memref_slice %arg5[%dma_wait3A, %dma_wait3A_208, %dma_wait3A_209] : memref<3x2048x1024xf32, #tpu.memory_space<vmem>> -> memref<1x2048x1024xf32, #tpu.memory_space<vmem>>
      %dma_wait3A_211 = tpu.memref_squeeze %dma_wait3A_210 : memref<1x2048x1024xf32, #tpu.memory_space<vmem>> -> memref<2048x1024xf32, #tpu.memory_space<vmem>>
      tpu.wait_dma2 semaphore(%dma_wait3A_205 : memref<!tpu.dma_semaphore, #tpu.memory_space<semaphore_mem>>) src(%dma_wait3A_211 : memref<2048x1024xf32, #tpu.memory_space<vmem>>) dst(%dma_wait3A_207 : memref<2048x1024xf32, #tpu.memory_space<any>>)
    } else {
    }
    %jit3A_13 = arith.constant 3 : i32
    %eq3A_14 = arith.constant 0 : i32
    %eq3A_15 = arith.cmpi eq, %jit3A_13, %eq3A_14 : i32
    %jit3A_16 = arith.constant 1 : i32
    %select_n3A_17 = arith.select %eq3A_15, %jit3A_16, %jit3A_13 : i32
    %rem3A_18 = arith.remsi %arg0, %select_n3A_17 : i32
    %ne3A_19 = arith.constant 0 : i32
    %ne3A_20 = arith.cmpi ne, %rem3A_18, %ne3A_19 : i32
    %lt3A_21 = arith.constant 0 : i32
    %lt3A_22 = arith.cmpi slt, %rem3A_18, %lt3A_21 : i32
    %lt3A_23 = arith.constant 0 : i32
    %lt3A_24 = arith.cmpi slt, %select_n3A_17, %lt3A_23 : i32
    %ne3A_25 = arith.xori %lt3A_22, %lt3A_24 : i1
    %and3A_26 = arith.andi %ne3A_25, %ne3A_20 : i1
    %add3A_27 = arith.addi %rem3A_18, %select_n3A_17 : i32
    %select_n3A_28 = arith.select %and3A_26, %add3A_27, %rem3A_18 : i32
    %eq3A_29 = arith.constant 0 : i32
    %eq3A_30 = arith.cmpi eq, %select_n3A_28, %eq3A_29 : i32
    %convert_element_type3A_31 = arith.extui %eq3A_30 : i1 to i32
    %cond3A_32 = arith.constant 0 : i32
    %cond3A_33 = arith.cmpi ne, %convert_element_type3A_31, %cond3A_32 : i32
    scf.if %cond3A_33 {
      %get3A = arith.constant 0 : index
      %get3A_201 = arith.constant 0 : index
      %get3A_202 = vector.load %arg2[%get3A, %get3A_201] : memref<1024x1xi32, #tpu.memory_space<vmem>>, vector<1024x1xi32>
      %eq3A_203 = arith.constant 1 : i32
      %eq3A_204 = vector.broadcast %eq3A_203 : i32 to vector<1024x1xi32>
      %eq3A_205 = arith.cmpi eq, %get3A_202, %eq3A_204 : vector<1024x1xi32>
      %get3A_206 = arith.constant 0 : index
      %get3A_207 = arith.constant 64 : index
      %get3A_208 = vector.load %arg1[%get3A_206, %get3A_207] : memref<1024x128xf32, #tpu.memory_space<vmem>>, vector<1024x64xf32>
      %get3A_209 = arith.constant 0 : index
      %get3A_210 = arith.constant 0 : index
      %get3A_211 = vector.load %arg1[%get3A_209, %get3A_210] : memref<1024x128xf32, #tpu.memory_space<vmem>>, vector<1024x64xf32>
      %broadcast_in_dim3A = vector.shape_cast %eq3A_205 : vector<1024x1xi1> to vector<1024x1xi1>
      %broadcast_in_dim3A_212 = vector.broadcast %broadcast_in_dim3A : vector<1024x1xi1> to vector<1024x64xi1>
      %select_n3A_213 = arith.select %broadcast_in_dim3A_212, %get3A_208, %get3A_211 : vector<1024x64xi1>, vector<1024x64xf32>
      %get3A_214 = arith.constant 0 : index
      %get3A_215 = arith.constant 0 : index
      %get3A_216 = vector.load %arg3[%get3A_214, %get3A_215] : memref<64x2048xf32, #tpu.memory_space<vmem>>, vector<64x2048xf32>
      %dot_general3A = arith.constant dense<0.000000e+00> : vector<2048x1024xf32>
      %dot_general3A_217 = tpu.matmul %get3A_216, %select_n3A_213, %dot_general3A {dimension_numbers = #tpu.dot_dimension_numbers<[0], [1], [1], [0], [0, 1, 1, 0], [], []>, transpose_lhs_hint = false} : vector<64x2048xf32>, vector<1024x64xf32>, vector<2048x1024xf32> -> vector<2048x1024xf32>
      %swap3A = arith.constant 0 : index
      %swap3A_218 = arith.constant 0 : index
      %swap3A_219 = arith.constant 0 : index
      %swap3A_220 = vector.load %arg5[%swap3A, %swap3A_218, %swap3A_219] : memref<3x2048x1024xf32, #tpu.memory_space<vmem>>, vector<1x2048x1024xf32>
      %swap3A_221 = vector.shape_cast %swap3A_220 : vector<1x2048x1024xf32> to vector<2048x1024xf32>
      %swap3A_222 = vector.shape_cast %dot_general3A_217 : vector<2048x1024xf32> to vector<1x2048x1024xf32>
      tpu.vector_store %arg5[%swap3A, %swap3A_218, %swap3A_219], %swap3A_222 {strides = array<i32>} : memref<3x2048x1024xf32, #tpu.memory_space<vmem>>, vector<1x2048x1024xf32>,
    } else {
    }
    %jit3A_34 = arith.constant 3 : i32
    %eq3A_35 = arith.constant 0 : i32
    %eq3A_36 = arith.cmpi eq, %jit3A_34, %eq3A_35 : i32
    %jit3A_37 = arith.constant 1 : i32
    %select_n3A_38 = arith.select %eq3A_36, %jit3A_37, %jit3A_34 : i32
    %rem3A_39 = arith.remsi %arg0, %select_n3A_38 : i32
    %ne3A_40 = arith.constant 0 : i32
    %ne3A_41 = arith.cmpi ne, %rem3A_39, %ne3A_40 : i32
    %lt3A_42 = arith.constant 0 : i32
    %lt3A_43 = arith.cmpi slt, %rem3A_39, %lt3A_42 : i32
    %lt3A_44 = arith.constant 0 : i32
    %lt3A_45 = arith.cmpi slt, %select_n3A_38, %lt3A_44 : i32
    %ne3A_46 = arith.xori %lt3A_43, %lt3A_45 : i1
    %and3A_47 = arith.andi %ne3A_46, %ne3A_41 : i1
    %add3A_48 = arith.addi %rem3A_39, %select_n3A_38 : i32
    %select_n3A_49 = arith.select %and3A_47, %add3A_48, %rem3A_39 : i32
    %eq3A_50 = arith.constant 0 : i32
    %eq3A_51 = arith.cmpi eq, %select_n3A_49, %eq3A_50 : i32
    %lt3A_52 = arith.constant 48 : i32
    %lt3A_53 = arith.cmpi slt, %arg0, %lt3A_52 : i32
    %and3A_54 = arith.andi %eq3A_51, %lt3A_53 : i1
    %convert_element_type3A_55 = arith.extui %and3A_54 : i1 to i32
    %cond3A_56 = arith.constant 0 : i32
    %cond3A_57 = arith.cmpi ne, %convert_element_type3A_55, %cond3A_56 : i32
    scf.if %cond3A_57 {
      %mul3A = arith.constant 2048 : i32
      %mul3A_201 = arith.muli %arg0, %mul3A : i32
      %dma_start3A = arith.constant 0 : i32
      %dma_start3A_202 = arith.constant 0 : i32
      %dma_start3A_203 = tpu.memref_slice %arg6[%dma_start3A_202] : memref<3x!tpu.dma_semaphore, #tpu.memory_space<semaphore_mem>> -> memref<1x!tpu.dma_semaphore, #tpu.memory_space<semaphore_mem>>
      %dma_start3A_204 = tpu.memref_squeeze %dma_start3A_203 : memref<1x!tpu.dma_semaphore, #tpu.memory_space<semaphore_mem>> -> memref<!tpu.dma_semaphore, #tpu.memory_space<semaphore_mem>>
      %dma_start3A_205 = arith.constant 0 : i32
      %dma_start3A_206 = tpu.memref_slice %arg4[%mul3A_201, %dma_start3A_205] : memref<100000x1024xf32, #tpu.memory_space<any>> -> memref<2048x1024xf32, #tpu.memory_space<any>>
      %dma_start3A_207 = arith.constant 0 : i32
      %dma_start3A_208 = arith.constant 0 : i32
      %dma_start3A_209 = tpu.memref_slice %arg5[%dma_start3A, %dma_start3A_207, %dma_start3A_208] : memref<3x2048x1024xf32, #tpu.memory_space<vmem>> -> memref<1x2048x1024xf32, #tpu.memory_space<vmem>>
      %dma_start3A_210 = tpu.memref_squeeze %dma_start3A_209 : memref<1x2048x1024xf32, #tpu.memory_space<vmem>> -> memref<2048x1024xf32, #tpu.memory_space<vmem>>
      tpu.enqueue_dma source(%dma_start3A_210 : memref<2048x1024xf32, #tpu.memory_space<vmem>>) target(%dma_start3A_206 : memref<2048x1024xf32, #tpu.memory_space<any>>) target_semaphore(%dma_start3A_204 : memref<!tpu.dma_semaphore, #tpu.memory_space<semaphore_mem>>)
    } else {
    }
    %jit3A_58 = arith.constant 3 : i32
    %eq3A_59 = arith.constant 0 : i32
    %eq3A_60 = arith.cmpi eq, %jit3A_58, %eq3A_59 : i32
    %jit3A_61 = arith.constant 1 : i32
    %select_n3A_62 = arith.select %eq3A_60, %jit3A_61, %jit3A_58 : i32
    %rem3A_63 = arith.remsi %arg0, %select_n3A_62 : i32
    %ne3A_64 = arith.constant 0 : i32
    %ne3A_65 = arith.cmpi ne, %rem3A_63, %ne3A_64 : i32
    %lt3A_66 = arith.constant 0 : i32
    %lt3A_67 = arith.cmpi slt, %rem3A_63, %lt3A_66 : i32
    %lt3A_68 = arith.constant 0 : i32
    %lt3A_69 = arith.cmpi slt, %select_n3A_62, %lt3A_68 : i32
    %ne3A_70 = arith.xori %lt3A_67, %lt3A_69 : i1
    %and3A_71 = arith.andi %ne3A_70, %ne3A_65 : i1
    %add3A_72 = arith.addi %rem3A_63, %select_n3A_62 : i32
    %select_n3A_73 = arith.select %and3A_71, %add3A_72, %rem3A_63 : i32
    %eq3A_74 = arith.constant 1 : i32
    %eq3A_75 = arith.cmpi eq, %select_n3A_73, %eq3A_74 : i32
    %ge3A_76 = arith.constant 3 : i32
    %ge3A_77 = arith.cmpi sge, %arg0, %ge3A_76 : i32
    %and3A_78 = arith.andi %eq3A_75, %ge3A_77 : i1
    %convert_element_type3A_79 = arith.extui %and3A_78 : i1 to i32
    %cond3A_80 = arith.constant 0 : i32
    %cond3A_81 = arith.cmpi ne, %convert_element_type3A_79, %cond3A_80 : i32
    scf.if %cond3A_81 {
      %sub3A = arith.constant 3 : i32
      %sub3A_201 = arith.subi %arg0, %sub3A : i32
      %mul3A = arith.constant 2048 : i32
      %mul3A_202 = arith.muli %sub3A_201, %mul3A : i32
      %dma_wait3A = arith.constant 1 : i32
      %dma_wait3A_203 = arith.constant 1 : i32
      %dma_wait3A_204 = tpu.memref_slice %arg6[%dma_wait3A_203] : memref<3x!tpu.dma_semaphore, #tpu.memory_space<semaphore_mem>> -> memref<1x!tpu.dma_semaphore, #tpu.memory_space<semaphore_mem>>
      %dma_wait3A_205 = tpu.memref_squeeze %dma_wait3A_204 : memref<1x!tpu.dma_semaphore, #tpu.memory_space<semaphore_mem>> -> memref<!tpu.dma_semaphore, #tpu.memory_space<semaphore_mem>>
      %dma_wait3A_206 = arith.constant 0 : i32
      %dma_wait3A_207 = tpu.memref_slice %arg4[%mul3A_202, %dma_wait3A_206] : memref<100000x1024xf32, #tpu.memory_space<any>> -> memref<2048x1024xf32, #tpu.memory_space<any>>
      %dma_wait3A_208 = arith.constant 0 : i32
      %dma_wait3A_209 = arith.constant 0 : i32
      %dma_wait3A_210 = tpu.memref_slice %arg5[%dma_wait3A, %dma_wait3A_208, %dma_wait3A_209] : memref<3x2048x1024xf32, #tpu.memory_space<vmem>> -> memref<1x2048x1024xf32, #tpu.memory_space<vmem>>
      %dma_wait3A_211 = tpu.memref_squeeze %dma_wait3A_210 : memref<1x2048x1024xf32, #tpu.memory_space<vmem>> -> memref<2048x1024xf32, #tpu.memory_space<vmem>>
      tpu.wait_dma2 semaphore(%dma_wait3A_205 : memref<!tpu.dma_semaphore, #tpu.memory_space<semaphore_mem>>) src(%dma_wait3A_211 : memref<2048x1024xf32, #tpu.memory_space<vmem>>) dst(%dma_wait3A_207 : memref<2048x1024xf32, #tpu.memory_space<any>>)
    } else {
    }
    %jit3A_82 = arith.constant 3 : i32
    %eq3A_83 = arith.constant 0 : i32
    %eq3A_84 = arith.cmpi eq, %jit3A_82, %eq3A_83 : i32
    %jit3A_85 = arith.constant 1 : i32
    %select_n3A_86 = arith.select %eq3A_84, %jit3A_85, %jit3A_82 : i32
    %rem3A_87 = arith.remsi %arg0, %select_n3A_86 : i32
    %ne3A_88 = arith.constant 0 : i32
    %ne3A_89 = arith.cmpi ne, %rem3A_87, %ne3A_88 : i32
    %lt3A_90 = arith.constant 0 : i32
    %lt3A_91 = arith.cmpi slt, %rem3A_87, %lt3A_90 : i32
    %lt3A_92 = arith.constant 0 : i32
    %lt3A_93 = arith.cmpi slt, %select_n3A_86, %lt3A_92 : i32
    %ne3A_94 = arith.xori %lt3A_91, %lt3A_93 : i1
    %and3A_95 = arith.andi %ne3A_94, %ne3A_89 : i1
    %add3A_96 = arith.addi %rem3A_87, %select_n3A_86 : i32
    %select_n3A_97 = arith.select %and3A_95, %add3A_96, %rem3A_87 : i32
    %eq3A_98 = arith.constant 1 : i32
    %eq3A_99 = arith.cmpi eq, %select_n3A_97, %eq3A_98 : i32
    %convert_element_type3A_100 = arith.extui %eq3A_99 : i1 to i32
    %cond3A_101 = arith.constant 0 : i32
    %cond3A_102 = arith.cmpi ne, %convert_element_type3A_100, %cond3A_101 : i32
    scf.if %cond3A_102 {
      %get3A = arith.constant 0 : index
      %get3A_201 = arith.constant 0 : index
      %get3A_202 = vector.load %arg2[%get3A, %get3A_201] : memref<1024x1xi32, #tpu.memory_space<vmem>>, vector<1024x1xi32>
      %eq3A_203 = arith.constant 1 : i32
      %eq3A_204 = vector.broadcast %eq3A_203 : i32 to vector<1024x1xi32>
      %eq3A_205 = arith.cmpi eq, %get3A_202, %eq3A_204 : vector<1024x1xi32>
      %get3A_206 = arith.constant 0 : index
      %get3A_207 = arith.constant 64 : index
      %get3A_208 = vector.load %arg1[%get3A_206, %get3A_207] : memref<1024x128xf32, #tpu.memory_space<vmem>>, vector<1024x64xf32>
      %get3A_209 = arith.constant 0 : index
      %get3A_210 = arith.constant 0 : index
      %get3A_211 = vector.load %arg1[%get3A_209, %get3A_210] : memref<1024x128xf32, #tpu.memory_space<vmem>>, vector<1024x64xf32>
      %broadcast_in_dim3A = vector.shape_cast %eq3A_205 : vector<1024x1xi1> to vector<1024x1xi1>
      %broadcast_in_dim3A_212 = vector.broadcast %broadcast_in_dim3A : vector<1024x1xi1> to vector<1024x64xi1>
      %select_n3A_213 = arith.select %broadcast_in_dim3A_212, %get3A_208, %get3A_211 : vector<1024x64xi1>, vector<1024x64xf32>
      %get3A_214 = arith.constant 0 : index
      %get3A_215 = arith.constant 0 : index
      %get3A_216 = vector.load %arg3[%get3A_214, %get3A_215] : memref<64x2048xf32, #tpu.memory_space<vmem>>, vector<64x2048xf32>
      %dot_general3A = arith.constant dense<0.000000e+00> : vector<2048x1024xf32>
      %dot_general3A_217 = tpu.matmul %get3A_216, %select_n3A_213, %dot_general3A {dimension_numbers = #tpu.dot_dimension_numbers<[0], [1], [1], [0], [0, 1, 1, 0], [], []>, transpose_lhs_hint = false} : vector<64x2048xf32>, vector<1024x64xf32>, vector<2048x1024xf32> -> vector<2048x1024xf32>
      %swap3A = arith.constant 1 : index
      %swap3A_218 = arith.constant 0 : index
      %swap3A_219 = arith.constant 0 : index
      %swap3A_220 = vector.load %arg5[%swap3A, %swap3A_218, %swap3A_219] : memref<3x2048x1024xf32, #tpu.memory_space<vmem>>, vector<1x2048x1024xf32>
      %swap3A_221 = vector.shape_cast %swap3A_220 : vector<1x2048x1024xf32> to vector<2048x1024xf32>
      %swap3A_222 = vector.shape_cast %dot_general3A_217 : vector<2048x1024xf32> to vector<1x2048x1024xf32>
      tpu.vector_store %arg5[%swap3A, %swap3A_218, %swap3A_219], %swap3A_222 {strides = array<i32>} : memref<3x2048x1024xf32, #tpu.memory_space<vmem>>, vector<1x2048x1024xf32>,
    } else {
    }
    %jit3A_103 = arith.constant 3 : i32
    %eq3A_104 = arith.constant 0 : i32
    %eq3A_105 = arith.cmpi eq, %jit3A_103, %eq3A_104 : i32
    %jit3A_106 = arith.constant 1 : i32
    %select_n3A_107 = arith.select %eq3A_105, %jit3A_106, %jit3A_103 : i32
    %rem3A_108 = arith.remsi %arg0, %select_n3A_107 : i32
    %ne3A_109 = arith.constant 0 : i32
    %ne3A_110 = arith.cmpi ne, %rem3A_108, %ne3A_109 : i32
    %lt3A_111 = arith.constant 0 : i32
    %lt3A_112 = arith.cmpi slt, %rem3A_108, %lt3A_111 : i32
    %lt3A_113 = arith.constant 0 : i32
    %lt3A_114 = arith.cmpi slt, %select_n3A_107, %lt3A_113 : i32
    %ne3A_115 = arith.xori %lt3A_112, %lt3A_114 : i1
    %and3A_116 = arith.andi %ne3A_115, %ne3A_110 : i1
    %add3A_117 = arith.addi %rem3A_108, %select_n3A_107 : i32
    %select_n3A_118 = arith.select %and3A_116, %add3A_117, %rem3A_108 : i32
    %eq3A_119 = arith.constant 1 : i32
    %eq3A_120 = arith.cmpi eq, %select_n3A_118, %eq3A_119 : i32
    %lt3A_121 = arith.constant 48 : i32
    %lt3A_122 = arith.cmpi slt, %arg0, %lt3A_121 : i32
    %and3A_123 = arith.andi %eq3A_120, %lt3A_122 : i1
    %convert_element_type3A_124 = arith.extui %and3A_123 : i1 to i32
    %cond3A_125 = arith.constant 0 : i32
    %cond3A_126 = arith.cmpi ne, %convert_element_type3A_124, %cond3A_125 : i32
    scf.if %cond3A_126 {
      %mul3A = arith.constant 2048 : i32
      %mul3A_201 = arith.muli %arg0, %mul3A : i32
      %dma_start3A = arith.constant 1 : i32
      %dma_start3A_202 = arith.constant 1 : i32
      %dma_start3A_203 = tpu.memref_slice %arg6[%dma_start3A_202] : memref<3x!tpu.dma_semaphore, #tpu.memory_space<semaphore_mem>> -> memref<1x!tpu.dma_semaphore, #tpu.memory_space<semaphore_mem>>
      %dma_start3A_204 = tpu.memref_squeeze %dma_start3A_203 : memref<1x!tpu.dma_semaphore, #tpu.memory_space<semaphore_mem>> -> memref<!tpu.dma_semaphore, #tpu.memory_space<semaphore_mem>>
      %dma_start3A_205 = arith.constant 0 : i32
      %dma_start3A_206 = tpu.memref_slice %arg4[%mul3A_201, %dma_start3A_205] : memref<100000x1024xf32, #tpu.memory_space<any>> -> memref<2048x1024xf32, #tpu.memory_space<any>>
      %dma_start3A_207 = arith.constant 0 : i32
      %dma_start3A_208 = arith.constant 0 : i32
      %dma_start3A_209 = tpu.memref_slice %arg5[%dma_start3A, %dma_start3A_207, %dma_start3A_208] : memref<3x2048x1024xf32, #tpu.memory_space<vmem>> -> memref<1x2048x1024xf32, #tpu.memory_space<vmem>>
      %dma_start3A_210 = tpu.memref_squeeze %dma_start3A_209 : memref<1x2048x1024xf32, #tpu.memory_space<vmem>> -> memref<2048x1024xf32, #tpu.memory_space<vmem>>
      tpu.enqueue_dma source(%dma_start3A_210 : memref<2048x1024xf32, #tpu.memory_space<vmem>>) target(%dma_start3A_206 : memref<2048x1024xf32, #tpu.memory_space<any>>) target_semaphore(%dma_start3A_204 : memref<!tpu.dma_semaphore, #tpu.memory_space<semaphore_mem>>)
    } else {
    }
    %jit3A_127 = arith.constant 3 : i32
    %eq3A_128 = arith.constant 0 : i32
    %eq3A_129 = arith.cmpi eq, %jit3A_127, %eq3A_128 : i32
    %jit3A_130 = arith.constant 1 : i32
    %select_n3A_131 = arith.select %eq3A_129, %jit3A_130, %jit3A_127 : i32
    %rem3A_132 = arith.remsi %arg0, %select_n3A_131 : i32
    %ne3A_133 = arith.constant 0 : i32
    %ne3A_134 = arith.cmpi ne, %rem3A_132, %ne3A_133 : i32
    %lt3A_135 = arith.constant 0 : i32
    %lt3A_136 = arith.cmpi slt, %rem3A_132, %lt3A_135 : i32
    %lt3A_137 = arith.constant 0 : i32
    %lt3A_138 = arith.cmpi slt, %select_n3A_131, %lt3A_137 : i32
    %ne3A_139 = arith.xori %lt3A_136, %lt3A_138 : i1
    %and3A_140 = arith.andi %ne3A_139, %ne3A_134 : i1
    %add3A_141 = arith.addi %rem3A_132, %select_n3A_131 : i32
    %select_n3A_142 = arith.select %and3A_140, %add3A_141, %rem3A_132 : i32
    %eq3A_143 = arith.constant 2 : i32
    %eq3A_144 = arith.cmpi eq, %select_n3A_142, %eq3A_143 : i32
    %ge3A_145 = arith.constant 3 : i32
    %ge3A_146 = arith.cmpi sge, %arg0, %ge3A_145 : i32
    %and3A_147 = arith.andi %eq3A_144, %ge3A_146 : i1
    %convert_element_type3A_148 = arith.extui %and3A_147 : i1 to i32
    %cond3A_149 = arith.constant 0 : i32
    %cond3A_150 = arith.cmpi ne, %convert_element_type3A_148, %cond3A_149 : i32
    scf.if %cond3A_150 {
      %sub3A = arith.constant 3 : i32
      %sub3A_201 = arith.subi %arg0, %sub3A : i32
      %mul3A = arith.constant 2048 : i32
      %mul3A_202 = arith.muli %sub3A_201, %mul3A : i32
      %dma_wait3A = arith.constant 2 : i32
      %dma_wait3A_203 = arith.constant 2 : i32
      %dma_wait3A_204 = tpu.memref_slice %arg6[%dma_wait3A_203] : memref<3x!tpu.dma_semaphore, #tpu.memory_space<semaphore_mem>> -> memref<1x!tpu.dma_semaphore, #tpu.memory_space<semaphore_mem>>
      %dma_wait3A_205 = tpu.memref_squeeze %dma_wait3A_204 : memref<1x!tpu.dma_semaphore, #tpu.memory_space<semaphore_mem>> -> memref<!tpu.dma_semaphore, #tpu.memory_space<semaphore_mem>>
      %dma_wait3A_206 = arith.constant 0 : i32
      %dma_wait3A_207 = tpu.memref_slice %arg4[%mul3A_202, %dma_wait3A_206] : memref<100000x1024xf32, #tpu.memory_space<any>> -> memref<2048x1024xf32, #tpu.memory_space<any>>
      %dma_wait3A_208 = arith.constant 0 : i32
      %dma_wait3A_209 = arith.constant 0 : i32
      %dma_wait3A_210 = tpu.memref_slice %arg5[%dma_wait3A, %dma_wait3A_208, %dma_wait3A_209] : memref<3x2048x1024xf32, #tpu.memory_space<vmem>> -> memref<1x2048x1024xf32, #tpu.memory_space<vmem>>
      %dma_wait3A_211 = tpu.memref_squeeze %dma_wait3A_210 : memref<1x2048x1024xf32, #tpu.memory_space<vmem>> -> memref<2048x1024xf32, #tpu.memory_space<vmem>>
      tpu.wait_dma2 semaphore(%dma_wait3A_205 : memref<!tpu.dma_semaphore, #tpu.memory_space<semaphore_mem>>) src(%dma_wait3A_211 : memref<2048x1024xf32, #tpu.memory_space<vmem>>) dst(%dma_wait3A_207 : memref<2048x1024xf32, #tpu.memory_space<any>>)
    } else {
    }
    %jit3A_151 = arith.constant 3 : i32
    %eq3A_152 = arith.constant 0 : i32
    %eq3A_153 = arith.cmpi eq, %jit3A_151, %eq3A_152 : i32
    %jit3A_154 = arith.constant 1 : i32
    %select_n3A_155 = arith.select %eq3A_153, %jit3A_154, %jit3A_151 : i32
    %rem3A_156 = arith.remsi %arg0, %select_n3A_155 : i32
    %ne3A_157 = arith.constant 0 : i32
    %ne3A_158 = arith.cmpi ne, %rem3A_156, %ne3A_157 : i32
    %lt3A_159 = arith.constant 0 : i32
    %lt3A_160 = arith.cmpi slt, %rem3A_156, %lt3A_159 : i32
    %lt3A_161 = arith.constant 0 : i32
    %lt3A_162 = arith.cmpi slt, %select_n3A_155, %lt3A_161 : i32
    %ne3A_163 = arith.xori %lt3A_160, %lt3A_162 : i1
    %and3A_164 = arith.andi %ne3A_163, %ne3A_158 : i1
    %add3A_165 = arith.addi %rem3A_156, %select_n3A_155 : i32
    %select_n3A_166 = arith.select %and3A_164, %add3A_165, %rem3A_156 : i32
    %eq3A_167 = arith.constant 2 : i32
    %eq3A_168 = arith.cmpi eq, %select_n3A_166, %eq3A_167 : i32
    %convert_element_type3A_169 = arith.extui %eq3A_168 : i1 to i32
    %cond3A_170 = arith.constant 0 : i32
    %cond3A_171 = arith.cmpi ne, %convert_element_type3A_169, %cond3A_170 : i32
    scf.if %cond3A_171 {
      %get3A = arith.constant 0 : index
      %get3A_201 = arith.constant 0 : index
      %get3A_202 = vector.load %arg2[%get3A, %get3A_201] : memref<1024x1xi32, #tpu.memory_space<vmem>>, vector<1024x1xi32>
      %eq3A_203 = arith.constant 1 : i32
      %eq3A_204 = vector.broadcast %eq3A_203 : i32 to vector<1024x1xi32>
      %eq3A_205 = arith.cmpi eq, %get3A_202, %eq3A_204 : vector<1024x1xi32>
      %get3A_206 = arith.constant 0 : index
      %get3A_207 = arith.constant 64 : index
      %get3A_208 = vector.load %arg1[%get3A_206, %get3A_207] : memref<1024x128xf32, #tpu.memory_space<vmem>>, vector<1024x64xf32>
      %get3A_209 = arith.constant 0 : index
      %get3A_210 = arith.constant 0 : index
      %get3A_211 = vector.load %arg1[%get3A_209, %get3A_210] : memref<1024x128xf32, #tpu.memory_space<vmem>>, vector<1024x64xf32>
      %broadcast_in_dim3A = vector.shape_cast %eq3A_205 : vector<1024x1xi1> to vector<1024x1xi1>
      %broadcast_in_dim3A_212 = vector.broadcast %broadcast_in_dim3A : vector<1024x1xi1> to vector<1024x64xi1>
      %select_n3A_213 = arith.select %broadcast_in_dim3A_212, %get3A_208, %get3A_211 : vector<1024x64xi1>, vector<1024x64xf32>
      %get3A_214 = arith.constant 0 : index
      %get3A_215 = arith.constant 0 : index
      %get3A_216 = vector.load %arg3[%get3A_214, %get3A_215] : memref<64x2048xf32, #tpu.memory_space<vmem>>, vector<64x2048xf32>
      %dot_general3A = arith.constant dense<0.000000e+00> : vector<2048x1024xf32>
      %dot_general3A_217 = tpu.matmul %get3A_216, %select_n3A_213, %dot_general3A {dimension_numbers = #tpu.dot_dimension_numbers<[0], [1], [1], [0], [0, 1, 1, 0], [], []>, transpose_lhs_hint = false} : vector<64x2048xf32>, vector<1024x64xf32>, vector<2048x1024xf32> -> vector<2048x1024xf32>
      %swap3A = arith.constant 2 : index
      %swap3A_218 = arith.constant 0 : index
      %swap3A_219 = arith.constant 0 : index
      %swap3A_220 = vector.load %arg5[%swap3A, %swap3A_218, %swap3A_219] : memref<3x2048x1024xf32, #tpu.memory_space<vmem>>, vector<1x2048x1024xf32>
      %swap3A_221 = vector.shape_cast %swap3A_220 : vector<1x2048x1024xf32> to vector<2048x1024xf32>
      %swap3A_222 = vector.shape_cast %dot_general3A_217 : vector<2048x1024xf32> to vector<1x2048x1024xf32>
      tpu.vector_store %arg5[%swap3A, %swap3A_218, %swap3A_219], %swap3A_222 {strides = array<i32>} : memref<3x2048x1024xf32, #tpu.memory_space<vmem>>, vector<1x2048x1024xf32>,
    } else {
    }
    %jit3A_172 = arith.constant 3 : i32
    %eq3A_173 = arith.constant 0 : i32
    %eq3A_174 = arith.cmpi eq, %jit3A_172, %eq3A_173 : i32
    %jit3A_175 = arith.constant 1 : i32
    %select_n3A_176 = arith.select %eq3A_174, %jit3A_175, %jit3A_172 : i32
    %rem3A_177 = arith.remsi %arg0, %select_n3A_176 : i32
    %ne3A_178 = arith.constant 0 : i32
    %ne3A_179 = arith.cmpi ne, %rem3A_177, %ne3A_178 : i32
    %lt3A_180 = arith.constant 0 : i32
    %lt3A_181 = arith.cmpi slt, %rem3A_177, %lt3A_180 : i32
    %lt3A_182 = arith.constant 0 : i32
    %lt3A_183 = arith.cmpi slt, %select_n3A_176, %lt3A_182 : i32
    %ne3A_184 = arith.xori %lt3A_181, %lt3A_183 : i1
    %and3A_185 = arith.andi %ne3A_184, %ne3A_179 : i1
    %add3A_186 = arith.addi %rem3A_177, %select_n3A_176 : i32
    %select_n3A_187 = arith.select %and3A_185, %add3A_186, %rem3A_177 : i32
    %eq3A_188 = arith.constant 2 : i32
    %eq3A_189 = arith.cmpi eq, %select_n3A_187, %eq3A_188 : i32
    %lt3A_190 = arith.constant 48 : i32
    %lt3A_191 = arith.cmpi slt, %arg0, %lt3A_190 : i32
    %and3A_192 = arith.andi %eq3A_189, %lt3A_191 : i1
    %convert_element_type3A_193 = arith.extui %and3A_192 : i1 to i32
    %cond3A_194 = arith.constant 0 : i32
    %cond3A_195 = arith.cmpi ne, %convert_element_type3A_193, %cond3A_194 : i32
    scf.if %cond3A_195 {
      %mul3A = arith.constant 2048 : i32
      %mul3A_201 = arith.muli %arg0, %mul3A : i32
      %dma_start3A = arith.constant 2 : i32
      %dma_start3A_202 = arith.constant 2 : i32
      %dma_start3A_203 = tpu.memref_slice %arg6[%dma_start3A_202] : memref<3x!tpu.dma_semaphore, #tpu.memory_space<semaphore_mem>> -> memref<1x!tpu.dma_semaphore, #tpu.memory_space<semaphore_mem>>
      %dma_start3A_204 = tpu.memref_squeeze %dma_start3A_203 : memref<1x!tpu.dma_semaphore, #tpu.memory_space<semaphore_mem>> -> memref<!tpu.dma_semaphore, #tpu.memory_space<semaphore_mem>>
      %dma_start3A_205 = arith.constant 0 : i32
      %dma_start3A_206 = tpu.memref_slice %arg4[%mul3A_201, %dma_start3A_205] : memref<100000x1024xf32, #tpu.memory_space<any>> -> memref<2048x1024xf32, #tpu.memory_space<any>>
      %dma_start3A_207 = arith.constant 0 : i32
      %dma_start3A_208 = arith.constant 0 : i32
      %dma_start3A_209 = tpu.memref_slice %arg5[%dma_start3A, %dma_start3A_207, %dma_start3A_208] : memref<3x2048x1024xf32, #tpu.memory_space<vmem>> -> memref<1x2048x1024xf32, #tpu.memory_space<vmem>>
      %dma_start3A_210 = tpu.memref_squeeze %dma_start3A_209 : memref<1x2048x1024xf32, #tpu.memory_space<vmem>> -> memref<2048x1024xf32, #tpu.memory_space<vmem>>
      tpu.enqueue_dma source(%dma_start3A_210 : memref<2048x1024xf32, #tpu.memory_space<vmem>>) target(%dma_start3A_206 : memref<2048x1024xf32, #tpu.memory_space<any>>) target_semaphore(%dma_start3A_204 : memref<!tpu.dma_semaphore, #tpu.memory_space<semaphore_mem>>)
    } else {
    }
    %eq3A_196 = arith.constant 48 : i32
    %eq3A_197 = arith.cmpi eq, %arg0, %eq3A_196 : i32
    %convert_element_type3A_198 = arith.extui %eq3A_197 : i1 to i32
    %cond3A_199 = arith.constant 0 : i32
    %cond3A_200 = arith.cmpi ne, %convert_element_type3A_198, %cond3A_199 : i32
    scf.if %cond3A_200 {
      %dma_start3A = arith.constant 0 : i32
      %dma_start3A_201 = arith.constant 0 : i32
      %dma_start3A_202 = tpu.memref_slice %arg6[%dma_start3A_201] : memref<3x!tpu.dma_semaphore, #tpu.memory_space<semaphore_mem>> -> memref<1x!tpu.dma_semaphore, #tpu.memory_space<semaphore_mem>>
      %dma_start3A_203 = tpu.memref_squeeze %dma_start3A_202 : memref<1x!tpu.dma_semaphore, #tpu.memory_space<semaphore_mem>> -> memref<!tpu.dma_semaphore, #tpu.memory_space<semaphore_mem>>
      %dma_start3A_204 = arith.constant 98304 : i32
      %dma_start3A_205 = arith.constant 0 : i32
      %dma_start3A_206 = tpu.memref_slice %arg4[%dma_start3A_204, %dma_start3A_205] : memref<100000x1024xf32, #tpu.memory_space<any>> -> memref<1696x1024xf32, #tpu.memory_space<any>>
      %dma_start3A_207 = arith.constant 0 : i32
      %dma_start3A_208 = arith.constant 0 : i32
      %dma_start3A_209 = tpu.memref_slice %arg5[%dma_start3A, %dma_start3A_207, %dma_start3A_208] : memref<3x2048x1024xf32, #tpu.memory_space<vmem>> -> memref<1x1696x1024xf32, #tpu.memory_space<vmem>>
      %dma_start3A_210 = tpu.memref_squeeze %dma_start3A_209 : memref<1x1696x1024xf32, #tpu.memory_space<vmem>> -> memref<1696x1024xf32, #tpu.memory_space<vmem>>
      tpu.enqueue_dma source(%dma_start3A_210 : memref<1696x1024xf32, #tpu.memory_space<vmem>>) target(%dma_start3A_206 : memref<1696x1024xf32, #tpu.memory_space<any>>) target_semaphore(%dma_start3A_203 : memref<!tpu.dma_semaphore, #tpu.memory_space<semaphore_mem>>)
      %dma_wait3A = arith.constant 1 : i32
      %dma_wait3A_211 = arith.constant 1 : i32
      %dma_wait3A_212 = tpu.memref_slice %arg6[%dma_wait3A_211] : memref<3x!tpu.dma_semaphore, #tpu.memory_space<semaphore_mem>> -> memref<1x!tpu.dma_semaphore, #tpu.memory_space<semaphore_mem>>
      %dma_wait3A_213 = tpu.memref_squeeze %dma_wait3A_212 : memref<1x!tpu.dma_semaphore, #tpu.memory_space<semaphore_mem>> -> memref<!tpu.dma_semaphore, #tpu.memory_space<semaphore_mem>>
      %dma_wait3A_214 = arith.constant 94208 : i32
      %dma_wait3A_215 = arith.constant 0 : i32
      %dma_wait3A_216 = tpu.memref_slice %arg4[%dma_wait3A_214, %dma_wait3A_215] : memref<100000x1024xf32, #tpu.memory_space<any>> -> memref<2048x1024xf32, #tpu.memory_space<any>>
      %dma_wait3A_217 = arith.constant 0 : i32
      %dma_wait3A_218 = arith.constant 0 : i32
      %dma_wait3A_219 = tpu.memref_slice %arg5[%dma_wait3A, %dma_wait3A_217, %dma_wait3A_218] : memref<3x2048x1024xf32, #tpu.memory_space<vmem>> -> memref<1x2048x1024xf32, #tpu.memory_space<vmem>>
      %dma_wait3A_220 = tpu.memref_squeeze %dma_wait3A_219 : memref<1x2048x1024xf32, #tpu.memory_space<vmem>> -> memref<2048x1024xf32, #tpu.memory_space<vmem>>
      tpu.wait_dma2 semaphore(%dma_wait3A_213 : memref<!tpu.dma_semaphore, #tpu.memory_space<semaphore_mem>>) src(%dma_wait3A_220 : memref<2048x1024xf32, #tpu.memory_space<vmem>>) dst(%dma_wait3A_216 : memref<2048x1024xf32, #tpu.memory_space<any>>)
      %dma_wait3A_221 = arith.constant 2 : i32
      %dma_wait3A_222 = arith.constant 2 : i32
      %dma_wait3A_223 = tpu.memref_slice %arg6[%dma_wait3A_222] : memref<3x!tpu.dma_semaphore, #tpu.memory_space<semaphore_mem>> -> memref<1x!tpu.dma_semaphore, #tpu.memory_space<semaphore_mem>>
      %dma_wait3A_224 = tpu.memref_squeeze %dma_wait3A_223 : memref<1x!tpu.dma_semaphore, #tpu.memory_space<semaphore_mem>> -> memref<!tpu.dma_semaphore, #tpu.memory_space<semaphore_mem>>
      %dma_wait3A_225 = arith.constant 96256 : i32
      %dma_wait3A_226 = arith.constant 0 : i32
      %dma_wait3A_227 = tpu.memref_slice %arg4[%dma_wait3A_225, %dma_wait3A_226] : memref<100000x1024xf32, #tpu.memory_space<any>> -> memref<2048x1024xf32, #tpu.memory_space<any>>
      %dma_wait3A_228 = arith.constant 0 : i32
      %dma_wait3A_229 = arith.constant 0 : i32
      %dma_wait3A_230 = tpu.memref_slice %arg5[%dma_wait3A_221, %dma_wait3A_228, %dma_wait3A_229] : memref<3x2048x1024xf32, #tpu.memory_space<vmem>> -> memref<1x2048x1024xf32, #tpu.memory_space<vmem>>
      %dma_wait3A_231 = tpu.memref_squeeze %dma_wait3A_230 : memref<1x2048x1024xf32, #tpu.memory_space<vmem>> -> memref<2048x1024xf32, #tpu.memory_space<vmem>>
      tpu.wait_dma2 semaphore(%dma_wait3A_224 : memref<!tpu.dma_semaphore, #tpu.memory_space<semaphore_mem>>) src(%dma_wait3A_231 : memref<2048x1024xf32, #tpu.memory_space<vmem>>) dst(%dma_wait3A_227 : memref<2048x1024xf32, #tpu.memory_space<any>>)
      %dma_wait3A_232 = arith.constant 0 : i32
      %dma_wait3A_233 = arith.constant 0 : i32
      %dma_wait3A_234 = tpu.memref_slice %arg6[%dma_wait3A_233] : memref<3x!tpu.dma_semaphore, #tpu.memory_space<semaphore_mem>> -> memref<1x!tpu.dma_semaphore, #tpu.memory_space<semaphore_mem>>
      %dma_wait3A_235 = tpu.memref_squeeze %dma_wait3A_234 : memref<1x!tpu.dma_semaphore, #tpu.memory_space<semaphore_mem>> -> memref<!tpu.dma_semaphore, #tpu.memory_space<semaphore_mem>>
      %dma_wait3A_236 = arith.constant 98304 : i32
      %dma_wait3A_237 = arith.constant 0 : i32
      %dma_wait3A_238 = tpu.memref_slice %arg4[%dma_wait3A_236, %dma_wait3A_237] : memref<100000x1024xf32, #tpu.memory_space<any>> -> memref<1696x1024xf32, #tpu.memory_space<any>>
      %dma_wait3A_239 = arith.constant 0 : i32
      %dma_wait3A_240 = arith.constant 0 : i32
      %dma_wait3A_241 = tpu.memref_slice %arg5[%dma_wait3A_232, %dma_wait3A_239, %dma_wait3A_240] : memref<3x2048x1024xf32, #tpu.memory_space<vmem>> -> memref<1x1696x1024xf32, #tpu.memory_space<vmem>>
      %dma_wait3A_242 = tpu.memref_squeeze %dma_wait3A_241 : memref<1x1696x1024xf32, #tpu.memory_space<vmem>> -> memref<1696x1024xf32, #tpu.memory_space<vmem>>
      tpu.wait_dma2 semaphore(%dma_wait3A_235 : memref<!tpu.dma_semaphore, #tpu.memory_space<semaphore_mem>>) src(%dma_wait3A_242 : memref<1696x1024xf32, #tpu.memory_space<vmem>>) dst(%dma_wait3A_238 : memref<1696x1024xf32, #tpu.memory_space<any>>)
    } else {
    }
    return
  }
  func.func @transform_0(%arg0: i32) -> (i32, i32) {
    %c0_i32 = arith.constant 0 : i32
    %c0_i32_0 = arith.constant 0 : i32
    %c0_i32_1 = arith.constant 0 : i32
    return %c0_i32, %c0_i32_0 : i32, i32
  }
  func.func @transform_1(%arg0: i32) -> (i32, i32) {
    %c0_i32 = arith.constant 0 : i32
    %c0_i32_0 = arith.constant 0 : i32
    %c0_i32_1 = arith.constant 0 : i32
    return %c0_i32, %c0_i32_0 : i32, i32
  }
  func.func @transform_2(%arg0: i32) -> (i32, i32) {
    %c0_i32 = arith.constant 0 : i32
    %c0_i32_0 = arith.constant 0 : i32
    return %c0_i32, %arg0 : i32, i32
  }
}

</mosaic_0001>

<sc_bundles>
// kernel: kernel.4.cloned.1.call-start
scs
__scs_entry_jumppad:
0x0: {  	(pc) =	sbr.rel $0x88, $3  }
0x1: {  	(tag) =	ssettag $0x0;
	lr =	simm.s32 $0x1  }
0x2: {  	[smem:$0x3F9E] =	sst lr;
	_ =	strace $0xD0000000  }
0x3: {  	_ = 	snop  }
0x4: {  	_ = 	snop  }
0x5: {  	_ = 	snop  }
0x6: {  	_ = 	snop  }
0x7: {  	_ = 	snop  }
__scs_overlays_trampoline_lowered:
0x8: {  	[smem:$0x3FAD] =	sst s0  }
0x9: {  	[smem:$0x3FAE] =	sst s1  }
0xa: {  	[smem:$0x3FAF] =	sst s2  }
0xb: {  	[smem:$0x3FB0] =	sst s3  }
0xc: {  	[smem:$0x3FB1] =	sst s4  }
0xd: {  	[smem:$0x3FB2] =	sst s5  }
0xe: {  	[smem:$0x3FB3] =	sst s6  }
0xf: {  	[smem:$0x3FB4] =	sst s7  }
0x10: {  	[smem:$0x3FB5] =	sst s8  }
0x11: {  	[smem:$0x3FB6] =	sst s9;
	s0 =	simm.s32 @!p0 $0x0  }
0x12: {  	s1 =	sld [smem:$0x3F9C];
	s0 =	simm.s32 @p0 $0x1  }
0x13: {  	[smem:$0x3FB7] =	sst s0;
	s0 =	simm.s32 @!p1 $0x0  }
0x14: {  	s2 =	sld [smem:$0x3F9B];
	s0 =	simm.s32 @p1 $0x1  }
0x15: {  	[smem:$0x3FB8] =	sst s0;
	s0 =	simm.s32 @!p2 $0x0  }
0x16: {  	s3 =	sld [smem:$0x3FDB];
	s0 =	simm.s32 @p2 $0x1  }
0x17: {  	s4 =	simm.s32 $0x1BF5;
	[smem:$0x3FBA] =	sst s0  }
0x18: {  	s0 =	sld [smem:$0x3F9D];
	_ =	swait.ge [sflag:s4], $0x0  }
0x19: {  	s7 =	sld [smem:$0x3F9E]  }
0x1a: {  	s8 =	sadd.s32 $0xFFFFE003, lr  }
0x1b: {  	s9 =	sadd.s32 $0xFFFFFEF7, lr;
	s5 =	simm.s32 $0xFFFFFFFF;
	p2 =	slt.u32 s8, $0xFFFFF086  }
0x1c: {  	p1 =	slt.u32 s9, $0xF7A;
	s5 =	simm.s32 @!p2 $0x0  }
0x1d: {  	s5 =	simm.s32 @p1 $0x1;
	p0 =	seq.s32 s7, s2  }
0x1e: {  	s7 =	smul.u32 @!p0 $0xF7A, s2;
	p2 =	seq.s32 @!p0 s5, $0x0  }
0x1f: {  	s9 =	smul.u32 $0xF7A, s1;
	s8 =	simm.s32 @!p0 $0x1BF5;
	p2 =	por !p2, p0  }
0x20: {  	[sflag:s8] =	ssyncset.s32 @!p0 $0xFFFFF086;
	s6 =	sadd.s32 @!p0 s3, s7;
	s7 =	simm.s32 @!p0 $0x108  }
0x21: {  	s3 =	sadd.s32 s3, s9;
	s6 =	sadd.s32 @!p0 $0x88, s6;
	s7 =	simm.s32 @p2 $0x1082  }
0x22: {  	[simem:s7], [sflag:s8] =	dma.local @!p0 [hbm:s6], $0xF7A  }
0x23: {  	s9 =	sor.u32 $0xD0000000, s2;
	s6 =	simm.s32 $0x108;
	_ =	swait.ge @!p0 [sflag:s8], $0x0  }
0x24: {  	s3 =	sadd.s32 $0x88, s3;
	s6 =	simm.s32 @!p1 $0x1082;
	[sflag:s4] =	ssyncset.s32 $0xFFFFF086  }
0x25: {  	[simem:s6], [sflag:s4] =	dma.local [hbm:s3], $0xF7A  }
0x26: {  	[smem:$0x3F9E] =	sst s1;
	(tag) =	ssettag s2;
	_ =	strace s9  }
0x27: {  	s1 =	sld [smem:$0x3FAE]  }
0x28: {  	s2 =	sld [smem:$0x3FAF]  }
0x29: {  	s4 =	sld [smem:$0x3FB1]  }
0x2a: {  	p0 =	seq.s32 s5, $0x0;
	s5 =	sld [smem:$0x3FB2]  }
0x2b: {  	s6 =	sld [smem:$0x3FB3]  }
0x2c: {  	s7 =	sld [smem:$0x3FB4]  }
0x2d: {  	s3 =	simm.s32 $0x108;
	s8 =	sld [smem:$0x3FB5]  }
0x2e: {  	s3 =	simm.s32 @!p0 $0x1082;
	s9 =	sld [smem:$0x3FB6]  }
0x2f: {  	lr =	sadd.s32 s0, s3;
	s0 =	sld [smem:$0x3FAD]  }
0x30: {  	s3 =	sld [smem:$0x3FB0]  }
0x31: {  	[smem:$0x3FB9] =	sst s10  }
0x32: {  	s10 =	sld [smem:$0x3FB7];
	_ =	sdelay $0x3  }
0x33: {  	p0 =	seq.s32 s10, $0x1;
	s10 =	sld [smem:$0x3FB9];
	_ =	sdelay $0x3  }
0x34: {  	[smem:$0x3FB9] =	sst s10  }
0x35: {  	s10 =	sld [smem:$0x3FB8];
	_ =	sdelay $0x3  }
0x36: {  	p1 =	seq.s32 s10, $0x1;
	s10 =	sld [smem:$0x3FB9];
	_ =	sdelay $0x3  }
0x37: {  	[smem:$0x3FB9] =	sst s10  }
0x38: {  	s10 =	sld [smem:$0x3FBA]  }
0x39: {  	_ = 	snop;
	(pc) =	sbr.ind lr, $3  }
0x3a: {  	_ = 	snop  }
0x3b: {  	_ = 	snop  }
0x3c: {  	p2 =	seq.s32 s10, $0x1;
	s10 =	sld [smem:$0x3FB9]  }
0x3d: {  	_ =	shalt  }
0x3e: {  	_ =	shalt  }
0x3f: {  	_ =	shalt  }
0x40: {  	_ =	shalt  }
0x41: {  	_ =	shalt  }
0x42: {  	_ =	shalt  }
0x43: {  	_ =	shalt  }
0x44: {  	_ =	shalt  }
0x45: {  	_ =	shalt  }
0x46: {  	_ =	shalt  }
0x47: {  	_ =	shalt  }
0x48: {  	_ =	shalt  }
0x49: {  	_ =	shalt  }
0x4a: {  	_ =	shalt  }
0x4b: {  	_ =	shalt  }
0x4c: {  	_ =	shalt  }
0x4d: {  	_ =	shalt  }
0x4e: {  	_ =	shalt  }
0x4f: {  	_ =	shalt  }
0x50: {  	_ =	shalt  }
0x51: {  	_ =	shalt  }
0x52: {  	_ =	shalt  }
0x53: {  	_ =	shalt  }
0x54: {  	_ =	shalt  }
0x55: {  	_ =	shalt  }
0x56: {  	_ =	shalt  }
0x57: {  	_ =	shalt  }
0x58: {  	_ =	shalt  }
0x59: {  	_ =	shalt  }
0x5a: {  	_ =	shalt  }
0x5b: {  	_ =	shalt  }
0x5c: {  	_ =	shalt  }
0x5d: {  	_ =	shalt  }
0x5e: {  	_ =	shalt  }
0x5f: {  	_ =	shalt  }
0x60: {  	_ =	shalt  }
0x61: {  	_ =	shalt  }
0x62: {  	_ =	shalt  }
0x63: {  	_ =	shalt  }
0x64: {  	_ =	shalt  }
0x65: {  	_ =	shalt  }
0x66: {  	_ =	shalt  }
0x67: {  	_ =	shalt  }
0x68: {  	_ =	shalt  }
0x69: {  	_ =	shalt  }
0x6a: {  	_ =	shalt  }
0x6b: {  	_ =	shalt  }
0x6c: {  	_ =	shalt  }
0x6d: {  	_ =	shalt  }
0x6e: {  	_ =	shalt  }
0x6f: {  	_ =	shalt  }
0x70: {  	_ =	shalt  }
0x71: {  	_ =	shalt  }
0x72: {  	_ =	shalt  }
0x73: {  	_ =	shalt  }
0x74: {  	_ =	shalt  }
0x75: {  	_ =	shalt  }
0x76: {  	_ =	shalt  }
0x77: {  	_ =	shalt  }
0x78: {  	_ =	shalt  }
0x79: {  	_ =	shalt  }
0x7a: {  	_ =	shalt  }
0x7b: {  	_ =	shalt  }
0x7c: {  	_ =	shalt  }
0x7d: {  	_ =	shalt  }
0x7e: {  	_ =	shalt  }
0x7f: {  	_ =	shalt  }
0x80: {  	_ =	shalt  }
0x81: {  	_ =	shalt  }
0x82: {  	_ =	shalt  }
0x83: {  	_ =	shalt  }
0x84: {  	_ =	shalt  }
0x85: {  	_ =	shalt  }
0x86: {  	_ =	shalt  }
0x87: {  	_ =	shalt  }
.Lfunc_end0:
.L_simem_size_0:
called_computation_lowered:
.L_overlay_start_0:
0x88: {  	s2 =	sld [smem:$0x3FD9]  }
0x89: {  	s3 =	sld [smem:$0x3FFE];
	_ =	sdelay $0x1  }
0x8a: {  	s1 =	srdreg.scid  }
0x8b: {  	s0 =	sand.u32 $0x1, s1  }
0x8c: {  	s17 =	sshll.u32 s0, $0xA;
	s2 =	sadd.s32 s3, s2  }
0x8d: {  	s2 =	sadd.s32 s2, s17  }
0x8e: {  	[smem:$0x3FC5] =	sst s2  }
0x8f: {  	_ = 	snop  }
0x90: {  	s2 =	sld [smem:$0x3FD0];
	(tm) =	ssettm $0x1  }
0x91: {  	s18 =	sld [smem:$0x3FFB];
	_ =	sdelay $0x3  }
0x92: {  	_ =	strace s18  }
0x93: {  	s3 =	sld [smem:$0x3FFC];
	_ =	sdelay $0x3  }
0x94: {  	_ =	strace s3  }
0x95: {  	s3 =	sld [smem:$0x3FFD];
	_ =	sdelay $0x3  }
0x96: {  	_ =	strace s3  }
0x97: {  	_ =	strace $0x8FFFFFFF  }
0x98: {  	s19 =	sld [smem:$0x3FDB];
	_ =	sdelay $0x1  }
0x99: {  	s4 =	simm.s32 $_scs_section_size  }
0x9a: {  	s5 =	simm.s32 $_size__tile_overlayer_lowered;
	s6 =	simm.s32 $_tile_overlayer_lowered  }
0x9b: {  	s22 =	simm.s32 $0x1BFF;
	s21 =	sshll.u32 s6, $0x1;
	s3 =	sadd.s32 s4, s19  }
0x9c: {  	s7 =	simm.s32 $0x0;
	s20 =	sshll.u32 s5, $0x1;
	s5 =	sadd.s32 s21, s3  }
0x9d: {  	[timem:s7], [sflag:s22] =	dma.local [hbm:s5], s20  }
0x9e: {  	_ =	swait.ge [sflag:s22], s20  }
0x9f: {  	s4 =	ssub.s32 $0x0, s20;
	[sflag:s22] =	ssyncset.done $0x0  }
0xa0: {  	[sflag:s22] =	ssyncadd.s32 s4;
	_ =	sdelay $0x1  }
0xa1: {  	s23 =	simm.s32 $0x1B8B  }
0xa2: {  	_ =	swait.ge [sflag:s23], $0x1  }
0xa3: {  	[sflag:s23] =	ssyncset.done $0x0  }
0xa4: {  	s25 =	simm.s32 $0x1B8E;
	s24 =	sld [smem:$0x3FFE];
	[sflag:s23] =	ssyncadd.s32 $0xFFFFFFFF  }
0xa5: {  	s26 =	simm.s32 $execute0_lowered;
	[smem:$0x3FD2] =	sst s25  }
0xa6: {  	s5 =	sshll.u32 s26, $0x1;
	_ =	strace $0x80000046;
	[dreg:$0x1] =	wrdreg $0xFFFFFFFF  }
0xa7: {  	s28 =	simm.s32 $_size_execute0_lowered;
	s3 =	sadd.s32 s3, s5;
	[dreg:$0x0] =	wrdreg $0x0  }
0xa8: {  	s5 =	sshll.u32 s28, $0x1;
	[dreg:$0x2] =	wrdreg s3  }
0xa9: {  	[dreg:$0x3] =	wrdreg s5  }
0xaa: {  	[dreg:$0x4] =	wrdreg $0xC0  }
0xab: {  	_ =	task [dreg:s7], $0x5FFFF  }
0xac: {  	[dreg:$0x1] =	wrdreg $0xFFFFFFFF  }
0xad: {  	[dreg:$0x0] =	wrdreg $0x60  }
0xae: {  	[dreg:$0x2] =	wrdreg s24  }
0xaf: {  	[dreg:$0x3] =	wrdreg s2  }
0xb0: {  	[dreg:$0x4] =	wrdreg $0x9  }
0xb1: {  	_ =	task.clear_ibuf [dreg:s7], $0x5FFFF;
	_ =	strace $0x90000046  }
0xb2: {  	s29 =	simm.s32 $0x9;
	_ =	strace $0x80000048  }
0xb3: {  	_ =	swait.ge [sflag:s29], $0x1  }
0xb4: {  	[sflag:s29] =	ssyncadd.s32 $0xFFFFFFFF  }
0xb5: {  	_ =	strace $0x90000048  }
0xb6: {  	_ =	sfence  }
0xb7: {  	s30 =	sld [smem:$0x0];
	_ =	sdelay $0x2  }
0xb8: {  	s31 =	sshll.u32 s1, $0xD;
	s1 =	sshrl.u32 s1, $0x2  }
0xb9: {  	s3 =	sand.u32 $0x4000, s31;
	s1 =	sadd.s32 s1, s30  }
0xba: {  	s0 =	sor.u32 s3, s0;
	s1 =	sshll.u32 s1, $0x11  }
0xbb: {  	s0 =	sor.u32 s1, s0  }
0xbc: {  	s0 =	sadd.s32 $0x8F2B, s0  }
0xbd: {  	[sflag:s0] =	ssyncadd.remote.s32 $0x1  }
0xbe: {  	_ =	sfence.sel $0xFFFF  }
0xbf: {  	[dreg:$0x0] =	wrdreg $0xFFFFFFFF;
	(pc) =	sbr.abs _section_cstart, $3  }
0xc0: {  	[dreg:$0x1] =	wrdreg $0xFFFFFFFF  }
0xc1: {  	_ =	task.clear_ibuf [dreg:s7], $0x2FFFF;
	_ =	strace $0x9FFFFFFF  }
0xc2: {  	(tm) =	ssettm $0x7FFFFFFF  }
0xc3: {  	_ =	shalt  }
tec
execute0_lowered:
.L_overlay_start_1:
0x0: {  	(tag) =	ssettag $0x1  }
0x1: {  	s1 =	srdreg.scid  }
0x2: {  	s0 =	stileid.u32;
	s6 =	sand.u32 $0x1, s1  }
0x3: {  	s5 =	rddreg [dreg:$0x0];
	s30 =	sshll.u32 s0, $0x6;
	s2 =	sshll.u32 s6, $0x5  }
0x4: {  	s9 =	rddreg [dreg:$0x1];
	s7 =	simm.s32 $0x80;
	s10 =	sor.u32 s2, s30  }
0x5: {  	s1 =	rddreg [dreg:$0x2];
	s2 =	simm.s32 $0x0;
	s3 =	sshrl.u32 s10, $0x3  }
0x6: {  	s11 =	ssub.s32 $0x2, s6;
	[smem:$0x7FF] =	sst s2;
	s3 =	sadd.s32 s3, s5  }
0x7: {  	_ =	strace $0x80000047;
	s4 =	sadd.s32 $0x800, s3;
	s3 =	simm.s32 $0x2  }
0x8: {  	[tilespmem:s2], [sflag:$0x2] =	stream.linear.gather [hbm4b:s4+s2], $0x20, $0x38;
	[tilespmem:$0x1080] =	vst v63  }
0x9: {  	s8 =	simm.s32 $0x1;
	s12 =	sshrl.u32 s11, $0x1;
	_ =	swait.ge [sflag:s3], $0x20  }
0xa: {  	s6 =	simm.s32 $0x20;
	s11 =	ssub.s32 s11, s12;
	[sflag:s3] =	ssyncset.done $0x0  }
0xb: {  	s5 =	sadd.s32 $0xA00, s5;
	s31 =	smax.u32 s11, $0x1;
	[sflag:s3] =	ssyncadd.s32 $0xFFFFFFE0  }
0xc: {  	[tilespmem:s7], [sflag:$0x1] =	stream.indirect.gather [hbm4b:s5+s6], $0x80, s2, s6, $0xb8;
	[tilespmem:$0x1080] =	vst v63  }
0xd: {  	p0 =	sne.s32 s31, $0x1;
	_ =	swait.ge [sflag:s8], $0x1000  }
.Ltmp0:
0xe: {  	s10 =	sshll.u32 s10, $0x4;
	[sflag:s8] =	ssyncset.done $0x0;
	(pc) =	sbr.rel @!p0 .LBB2_2-.Ltmp0, $4  }
0xf: {  	s9 =	sadd.s32 s9, s10;
	[sflag:s8] =	ssyncadd.s32 $0xFFFFF000  }
0x10: {  	[hbm4b:s9+s2] =	stream.linear.scatter [tilespmem:s7], [sflag:$0x2], $0x1000, $0x38;
	[tilespmem:$0x1080] =	vst v63  }
0x11: {  	_ =	swait.ge [sflag:s3], $0x1000  }
0x12: {  	s10 =	sadd.s32 $0xFFFFFFFF, s31;
	[sflag:s3] =	ssyncset.done $0x0  }
.LBB2_1:
0x13: {  	p0 =	sne.s32 s10, $0x1;
	s10 =	sadd.s32 $0xFFFFFFFF, s10;
	[sflag:s3] =	ssyncadd.s32 $0xFFFFF000  }
0x14: {  	[tilespmem:s2], [sflag:$0x2] =	stream.linear.gather [hbm4b:s4+s2], $0x20, $0x38;
	[tilespmem:$0x1080] =	vst v63  }
0x15: {  	_ =	swait.ge [sflag:s3], $0x20  }
0x16: {  	[sflag:s3] =	ssyncset.done $0x0  }
0x17: {  	[sflag:s3] =	ssyncadd.s32 $0xFFFFFFE0  }
0x18: {  	[tilespmem:s7], [sflag:$0x1] =	stream.indirect.gather [hbm4b:s5+s6], $0x80, s2, s6, $0xb8;
	[tilespmem:$0x1080] =	vst v63  }
0x19: {  	_ =	swait.ge [sflag:s8], $0x1000  }
.Ltmp1:
0x1a: {  	[sflag:s8] =	ssyncset.done $0x0;
	(pc) =	sbr.rel @p0 .LBB2_1-.Ltmp1, $4  }
0x1b: {  	[sflag:s8] =	ssyncadd.s32 $0xFFFFF000  }
0x1c: {  	[hbm4b:s9+s2] =	stream.linear.scatter [tilespmem:s7], [sflag:$0x2], $0x1000, $0x38;
	[tilespmem:$0x1080] =	vst v63  }
0x1d: {  	_ =	swait.ge [sflag:s3], $0x1000  }
0x1e: {  	[sflag:s3] =	ssyncset.done $0x0  }
.LBB2_2:
0x1f: {  	[sflag:s3] =	ssyncadd.s32 $0xFFFFF000  }
0x20: {  	_ =	sfence.sel $0x180000  }
0x21: {  	[bflag:$0x0] =	sbarrier.arrive $0xFFFF  }
0x22: {  	p0 =	sne.s32 s0, $0x0;
	_ =	strace $0x90000047  }
0x23: {  	s0 =	sadd.s32 @!p0 $0x100000, s1;
	[bflag:$0x2] =	sbarrier.arrive $0xFFFF  }
0x24: {  	[sflag:s0] =	ssyncadd.tile.s32 @!p0 $0x1;
	_ =	shalt  }
.Lfunc_end2:
_tile_overlayer_lowered:
.L_overlay_start_2:
0x25: {  	(tag) =	ssettag $0x2  }
0x26: {  	s0 =	rddreg [dreg:$0x0];
	s2 =	stileid.u32  }
0x27: {  	s1 =	rddreg [dreg:$0x1];
	p0 =	sne.s32 s2, $0x0  }
0x28: {  	s3 =	rddreg [dreg:$0x2];
	[bflag:$0x3] =	sbarrier.arrive $0xFFFF;
	s2 =	simm.s32 @!p0 $0x1C02  }
0x29: {  	[timem:s3], [sflag:s2] =	dma.local @!p0 [hbm:s0], s1  }
0x2a: {  	s0 =	simm.s32 @!p0 $0x2  }
0x2b: {  	_ =	swait.ge @!p0 [sflag:s0], s1  }
0x2c: {  	s1 =	ssub.s32 @!p0 $0x0, s1;
	[sflag:s0] =	ssyncset.done @!p0 $0x0  }
0x2d: {  	[sflag:s0] =	ssyncadd.s32 @!p0 s1  }
0x2e: {  	[bflag:$0x3] =	sbarrier.arrive $0xFFFF  }
0x2f: {  	_ =	shalt  }

</sc_bundles>
